<compile_context>
chip_gen: v7x
topology: tpu7x:2x2x1
jax: 0.10.2.dev20260603
libtpu: 0.0.44.dev20260713+nightly
codegen_flags: <defaults>
</compile_context>

<pallas_src>
import functools

import jax
import jax.numpy as jnp
from jax import lax
from jax.experimental import pallas as pl
from jax.experimental.pallas import tpu as pltpu
from jax.experimental.pallas import tpu_sc as plsc

ENC = 8192
VOCAB = 100000
HID = 1024
ATT = 384

NC = 2
NS = 16
CHUNK = 3200
BLK = 4096


def _tc_body(bpg_ref, badd_ref, hs_ref, wpg_ref, attn_ref, wad_ref,
             src_ref, pg_ref, pgs_ref):
    z = jnp.sum(hs_ref[...] * wpg_ref[...]) + bpg_ref[0]
    p = jax.nn.sigmoid(z)
    a = jnp.sum(attn_ref[...] * wad_ref[...], axis=2)
    src_ref[...] = (1.0 - p) * jnp.maximum(a + badd_ref[0], 0.0)

    @pl.when(pl.program_id(0) == 0)
    def _():
        pg_ref[...] = jnp.full((1, 128), p, jnp.float32)
        pgs_ref[0] = p


def _tc_call(bpg, badd, hs, wpg, attn, wad):
    return pl.pallas_call(
        _tc_body,
        grid=(ENC // BLK,),
        in_specs=[
            pl.BlockSpec(memory_space=pltpu.SMEM),
            pl.BlockSpec(memory_space=pltpu.SMEM),
            pl.BlockSpec((1, HID), lambda i: (0, 0)),
            pl.BlockSpec((1, HID), lambda i: (0, 0)),
            pl.BlockSpec((BLK // 128, 128, ATT), lambda i: (i, 0, 0)),
            pl.BlockSpec((1, 1, ATT), lambda i: (0, 0, 0)),
        ],
        out_specs=[
            pl.BlockSpec((BLK // 128, 128), lambda i: (i, 0)),
            pl.BlockSpec((1, 128), lambda i: (0, 0)),
            pl.BlockSpec(memory_space=pltpu.SMEM),
        ],
        out_shape=[
            jax.ShapeDtypeStruct((ENC // 128, 128), jnp.float32),
            jax.ShapeDtypeStruct((1, 128), jnp.float32),
            jax.ShapeDtypeStruct((1,), jnp.float32),
        ],
    )(bpg, badd, hs, wpg, attn, wad)


_SC_MESH = plsc.VectorSubcoreMesh(core_axis_name="c", subcore_axis_name="s")


NW = NC * NS
TAIL_W = NW - 1
TAIL_G0 = TAIL_W * CHUNK
TAIL_N = VOCAB - TAIL_G0


@functools.partial(
    pl.kernel,
    out_type=jax.ShapeDtypeStruct((1, 1, VOCAB), jnp.float32),
    mesh=_SC_MESH,
    compiler_params=pltpu.CompilerParams(
        needs_layout_passes=False,
        disable_bounds_checks=True,
        disable_semaphore_checks=True,
        skip_device_barrier=True,
    ),
    scratch_types=[
        pltpu.VMEM((ENC,), jnp.int32),
        pltpu.VMEM((ENC,), jnp.float32),
        pltpu.VMEM((16,), jnp.float32),
        pltpu.VMEM((CHUNK,), jnp.float32),
        pltpu.VMEM((ENC,), jnp.int32),
        pltpu.SemaphoreType.DMA,
        pltpu.SemaphoreType.DMA,
        pltpu.SemaphoreType.DMA,
        pltpu.SemaphoreType.DMA,
    ],
)
def _sc_kernel(vocab_hbm, ids_hbm, src_hbm, pg_hbm, out_hbm,
               ids_v, src_v, pg_v, chunk_v, work_v,
               sem_ids, sem_src, sem_chunk, sem_pg):
    c = lax.axis_index("c")
    s = lax.axis_index("s")
    w = c * NS + s
    g0 = w * CHUNK
    is_tail = w == TAIL_W

    @pl.when(is_tail)
    def _():
        pltpu.async_copy(vocab_hbm.at[0, 0, pl.ds(TAIL_G0, TAIL_N)],
                         chunk_v.at[pl.ds(0, TAIL_N)], sem_chunk)

    @pl.when(jnp.logical_not(is_tail))
    def _():
        pltpu.async_copy(vocab_hbm.at[0, 0, pl.ds(g0, CHUNK)],
                         chunk_v, sem_chunk)

    pg_cp = pltpu.async_copy(pg_hbm.at[pl.ds(0, 16)], pg_v, sem_pg)
    ids_cp = pltpu.async_copy(ids_hbm, ids_v, sem_ids)
    src_cp = pltpu.async_copy(src_hbm, src_v, sem_src)

    @pl.when(is_tail)
    def _():
        pltpu.make_async_copy(vocab_hbm.at[0, 0, pl.ds(TAIL_G0, TAIL_N)],
                              chunk_v.at[pl.ds(0, TAIL_N)], sem_chunk).wait()

    @pl.when(jnp.logical_not(is_tail))
    def _():
        pltpu.make_async_copy(vocab_hbm.at[0, 0, pl.ds(g0, CHUNK)],
                              chunk_v, sem_chunk).wait()

    pg_cp.wait()
    pg = pg_v[...]
    _ns = jax.named_scope

    def scale_body(i, carry):
        for u in range(4):
            sl = pl.ds((i * 4 + u) * 16, 16)
            chunk_v[sl] = chunk_v[sl] * pg
        return carry

    with _ns("scale"):
        lax.fori_loop(0, CHUNK // 64, scale_body, 0)

    with _ns("wait_ids_src"):
        ids_cp.wait()
        src_cp.wait()

    def scatter_body(i, carry):
        for u in range(8):
            sl = pl.ds((i * 8 + u) * 16, 16)
            lv = ids_v[sl] - g0
            inb = (lv >= 0) & (lv < CHUNK)
            lv = jnp.where(inb, lv, 0)
            plsc.addupdate_scatter(chunk_v, [lv], src_v[sl], mask=inb)
        return carry

    with _ns("scatter"):
        lax.fori_loop(0, ENC // 128, scatter_body, 0)

    @pl.when(is_tail)
    def _():
        pltpu.sync_copy(chunk_v.at[pl.ds(0, TAIL_N)],
                        out_hbm.at[0, 0, pl.ds(TAIL_G0, TAIL_N)])

    @pl.when(jnp.logical_not(is_tail))
    def _():
        pltpu.sync_copy(chunk_v, out_hbm.at[0, 0, pl.ds(g0, CHUNK)])


def kernel(input_ids, attentions, hidden_states,
           output_vocabulary_probabilities, W_pgen, b_pgen, W_add, b_add):
    attn = attentions.reshape(ENC // 128, 128, ATT)
    hs = hidden_states.reshape(1, HID)
    wpg = W_pgen.reshape(1, HID)
    wad = W_add.reshape(1, 1, ATT)
    ids = input_ids.reshape(ENC).astype(jnp.int32)

    src2d, pgv, pgs = _tc_call(b_pgen, b_add, hs, wpg, attn, wad)
    out = _sc_kernel(output_vocabulary_probabilities, ids,
                     src2d.reshape(ENC), pgv.reshape(128))
    p_gen = pgs.reshape(1, 1, 1)
    return (out, p_gen)

# --- scband reference (transcript-rebuilt; emitter-appended) ---
"""Pipeline reference for scband-pointer-32323923869835 (READ-ONLY COPY).

The authoritative reference and input builder live on the scoring server;
editing this copy changes nothing except your own understanding.
"""

import jax, jax.numpy as jnp
import numpy as np

ENC = 8192
VOCAB = 100000
HID = 1024
ATT = 384


def setup_inputs(seed: int = 0) -> dict:
    key = jax.random.key(seed)
    k1, k2, k3, k4, k5, k6 = jax.random.split(key, 6)
    input_ids = jax.random.randint(k1, (1, ENC), 0, VOCAB)
    attentions = jax.random.normal(k2, (1, 1, ENC, ATT), dtype=jnp.float32)
    hidden_states = jax.random.normal(k3, (1, 1, HID), dtype=jnp.float32)
    output_vocabulary_probabilities = jax.random.uniform(k4, (1, 1, VOCAB), dtype=jnp.float32)
    W_pgen = jax.random.normal(k5, (HID, 1), dtype=jnp.float32) / np.sqrt(HID)
    b_pgen = jnp.zeros((1,), dtype=jnp.float32)
    W_add = jax.random.normal(k6, (ATT, 1), dtype=jnp.float32) / np.sqrt(ATT)
    b_add = jnp.zeros((1,), dtype=jnp.float32)
    return {
        "input_ids": input_ids,
        "attentions": attentions,
        "hidden_states": hidden_states,
        "output_vocabulary_probabilities": output_vocabulary_probabilities,
        "W_pgen": W_pgen,
        "b_pgen": b_pgen,
        "W_add": W_add,
        "b_add": b_add,
    }


def _scatter_add_last(base, idx, src):
    B = base.reshape(-1, base.shape[-1])
    I = idx.reshape(-1, idx.shape[-1])
    S = src.reshape(-1, src.shape[-1])
    out = jax.vmap(lambda b, i, s: b.at[i].add(s))(B, I, S)
    return out.reshape(base.shape)


def reference(input_ids, attentions, hidden_states, output_vocabulary_probabilities, W_pgen, b_pgen, W_add, b_add):
    dec = hidden_states.shape[-2]
    ids = jnp.broadcast_to(input_ids[..., None, :], input_ids.shape[:-1] + (dec, input_ids.shape[-1]))
    p_gen = jax.nn.sigmoid(hidden_states @ W_pgen + b_pgen)  # [1, 1, 1]
    add = jax.nn.relu(attentions @ W_add + b_add)  # [1, 1, ENC, 1]
    add = jnp.squeeze(add)  # [ENC] (torch .squeeze() removes all size-1 dims)
    src = (1.0 - p_gen) * add  # broadcasts to [1, 1, ENC]
    base = p_gen * output_vocabulary_probabilities  # [1, 1, VOCAB]
    out = _scatter_add_last(base, ids, src)
    return (out, p_gen)

if __name__ == "__main__":
    import jax
    _d = setup_inputs()
    print(jax.jit(kernel)(*tuple(_d.values())))

</pallas_src>

<mosaic_0001>
#map = affine_map<(d0, d1) -> (0, 0, 0)>
#map1 = affine_map<(d0, d1) -> (0)>
module attributes {stable_mosaic.version = 14 : i64} {
  func.func @_sc_kernel(%arg0: i32, %arg1: i32, %arg2: memref<1x1x100000xf32, #tpu.memory_space<hbm>>, %arg3: memref<8192xi32, #tpu.memory_space<hbm>>, %arg4: memref<8192xf32, #tpu.memory_space<hbm>>, %arg5: memref<128xf32, #tpu.memory_space<hbm>>, %arg6: memref<1x1x100000xf32, #tpu.memory_space<hbm>>, %arg7: memref<8192xi32, #tpu.memory_space<vmem>>, %arg8: memref<8192xf32, #tpu.memory_space<vmem>>, %arg9: memref<16xf32, #tpu.memory_space<vmem>>, %arg10: memref<3200xf32, #tpu.memory_space<vmem>>, %arg11: memref<8192xi32, #tpu.memory_space<vmem>>, %arg12: memref<!tpu.dma_semaphore, #tpu.memory_space<semaphore_mem>>, %arg13: memref<!tpu.dma_semaphore, #tpu.memory_space<semaphore_mem>>, %arg14: memref<!tpu.dma_semaphore, #tpu.memory_space<semaphore_mem>>, %arg15: memref<!tpu.dma_semaphore, #tpu.memory_space<semaphore_mem>>) attributes {dimension_semantics = [#tpu.dimension_semantics<core_parallel>, #tpu.dimension_semantics<subcore_parallel>], iteration_bounds = array<i64: 2, 16>, scalar_prefetch = 0 : i64, scratch_operands = 9 : i64, tpu.core_type = #tpu.core_type<sc_vector_subcore>, window_params = [{transform_indices = #map}, {transform_indices = #map1}, {transform_indices = #map1}, {transform_indices = #map1}, {transform_indices = #map}]} {
    %mul3A = arith.constant 16 : i32
    %mul3A_0 = arith.muli %arg0, %mul3A : i32
    %add3A = arith.addi %mul3A_0, %arg1 : i32
    %mul3A_1 = arith.constant 3200 : i32
    %mul3A_2 = arith.muli %add3A, %mul3A_1 : i32
    %eq3A = arith.constant 31 : i32
    %eq3A_3 = arith.cmpi eq, %add3A, %eq3A : i32
    %convert_element_type3A = arith.extui %eq3A_3 : i1 to i32
    %cond3A = arith.constant 0 : i32
    %cond3A_4 = arith.cmpi ne, %convert_element_type3A, %cond3A : i32
    scf.if %cond3A_4 {
      %dma_start3A_43 = arith.constant 0 : i32
      %dma_start3A_44 = arith.constant 0 : i32
      %dma_start3A_45 = arith.constant 0 : i32
      %dma_start3A_46 = tpu.memref_slice %arg10[%dma_start3A_45] : memref<3200xf32, #tpu.memory_space<vmem>> -> memref<800xf32, #tpu.memory_space<vmem>>
      %dma_start3A_47 = arith.constant 99200 : i32
      %dma_start3A_48 = tpu.memref_slice %arg2[%dma_start3A_43, %dma_start3A_44, %dma_start3A_47] : memref<1x1x100000xf32, #tpu.memory_space<hbm>> -> memref<1x1x800xf32, #tpu.memory_space<hbm>>
      %dma_start3A_49 = tpu.memref_squeeze %dma_start3A_48 : memref<1x1x800xf32, #tpu.memory_space<hbm>> -> memref<800xf32, #tpu.memory_space<hbm>>
      %dma_start3A_50 = arith.constant 0 : i32
      %dma_start3A_51 = tpu.memref_slice %arg10[%dma_start3A_50] : memref<3200xf32, #tpu.memory_space<vmem>> -> memref<800xf32, #tpu.memory_space<vmem>>
      %dma_start3A_52 = arith.constant 99200 : i32
      %dma_start3A_53 = tpu.memref_slice %arg2[%dma_start3A_43, %dma_start3A_44, %dma_start3A_52] : memref<1x1x100000xf32, #tpu.memory_space<hbm>> -> memref<1x1x800xf32, #tpu.memory_space<hbm>>
      %dma_start3A_54 = tpu.memref_squeeze %dma_start3A_53 : memref<1x1x800xf32, #tpu.memory_space<hbm>> -> memref<800xf32, #tpu.memory_space<hbm>>
      tpu.enqueue_dma source(%dma_start3A_54 : memref<800xf32, #tpu.memory_space<hbm>>) target(%dma_start3A_51 : memref<800xf32, #tpu.memory_space<vmem>>) target_semaphore(%arg14 : memref<!tpu.dma_semaphore, #tpu.memory_space<semaphore_mem>>)
    } else {
    }
    %not3A = arith.constant true
    %not3A_5 = arith.xori %eq3A_3, %not3A : i1
    %convert_element_type3A_6 = arith.extui %not3A_5 : i1 to i32
    %cond3A_7 = arith.constant 0 : i32
    %cond3A_8 = arith.cmpi ne, %convert_element_type3A_6, %cond3A_7 : i32
    scf.if %cond3A_8 {
      %dma_start3A_43 = arith.constant 0 : i32
      %dma_start3A_44 = arith.constant 0 : i32
      %dma_start3A_45 = tpu.memref_slice %arg2[%dma_start3A_43, %dma_start3A_44, %mul3A_2] : memref<1x1x100000xf32, #tpu.memory_space<hbm>> -> memref<1x1x3200xf32, #tpu.memory_space<hbm>>
      %dma_start3A_46 = tpu.memref_squeeze %dma_start3A_45 : memref<1x1x3200xf32, #tpu.memory_space<hbm>> -> memref<3200xf32, #tpu.memory_space<hbm>>
      %dma_start3A_47 = tpu.memref_slice %arg2[%dma_start3A_43, %dma_start3A_44, %mul3A_2] : memref<1x1x100000xf32, #tpu.memory_space<hbm>> -> memref<1x1x3200xf32, #tpu.memory_space<hbm>>
      %dma_start3A_48 = tpu.memref_squeeze %dma_start3A_47 : memref<1x1x3200xf32, #tpu.memory_space<hbm>> -> memref<3200xf32, #tpu.memory_space<hbm>>
      tpu.enqueue_dma source(%dma_start3A_48 : memref<3200xf32, #tpu.memory_space<hbm>>) target(%arg10 : memref<3200xf32, #tpu.memory_space<vmem>>) target_semaphore(%arg14 : memref<!tpu.dma_semaphore, #tpu.memory_space<semaphore_mem>>)
    } else {
    }
    %dma_start3A = arith.constant 0 : i32
    %dma_start3A_9 = tpu.memref_slice %arg5[%dma_start3A] : memref<128xf32, #tpu.memory_space<hbm>> -> memref<16xf32, #tpu.memory_space<hbm>>
    %dma_start3A_10 = arith.constant 0 : i32
    %dma_start3A_11 = tpu.memref_slice %arg5[%dma_start3A_10] : memref<128xf32, #tpu.memory_space<hbm>> -> memref<16xf32, #tpu.memory_space<hbm>>
    tpu.enqueue_dma source(%dma_start3A_11 : memref<16xf32, #tpu.memory_space<hbm>>) target(%arg9 : memref<16xf32, #tpu.memory_space<vmem>>) target_semaphore(%arg15 : memref<!tpu.dma_semaphore, #tpu.memory_space<semaphore_mem>>)
    tpu.enqueue_dma source(%arg3 : memref<8192xi32, #tpu.memory_space<hbm>>) target(%arg7 : memref<8192xi32, #tpu.memory_space<vmem>>) target_semaphore(%arg12 : memref<!tpu.dma_semaphore, #tpu.memory_space<semaphore_mem>>)
    tpu.enqueue_dma source(%arg4 : memref<8192xf32, #tpu.memory_space<hbm>>) target(%arg8 : memref<8192xf32, #tpu.memory_space<vmem>>) target_semaphore(%arg13 : memref<!tpu.dma_semaphore, #tpu.memory_space<semaphore_mem>>)
    %convert_element_type3A_12 = arith.extui %eq3A_3 : i1 to i32
    %cond3A_13 = arith.constant 0 : i32
    %cond3A_14 = arith.cmpi ne, %convert_element_type3A_12, %cond3A_13 : i32
    scf.if %cond3A_14 {
      %dma_wait3A_43 = arith.constant 0 : i32
      %dma_wait3A_44 = arith.constant 0 : i32
      %dma_wait3A_45 = arith.constant 0 : i32
      %dma_wait3A_46 = tpu.memref_slice %arg10[%dma_wait3A_45] : memref<3200xf32, #tpu.memory_space<vmem>> -> memref<800xf32, #tpu.memory_space<vmem>>
      %dma_wait3A_47 = arith.constant 99200 : i32
      %dma_wait3A_48 = tpu.memref_slice %arg2[%dma_wait3A_43, %dma_wait3A_44, %dma_wait3A_47] : memref<1x1x100000xf32, #tpu.memory_space<hbm>> -> memref<1x1x800xf32, #tpu.memory_space<hbm>>
      %dma_wait3A_49 = tpu.memref_squeeze %dma_wait3A_48 : memref<1x1x800xf32, #tpu.memory_space<hbm>> -> memref<800xf32, #tpu.memory_space<hbm>>
      %dma_wait3A_50 = arith.constant 0 : i32
      %dma_wait3A_51 = tpu.memref_slice %arg10[%dma_wait3A_50] : memref<3200xf32, #tpu.memory_space<vmem>> -> memref<800xf32, #tpu.memory_space<vmem>>
      %dma_wait3A_52 = arith.constant 99200 : i32
      %dma_wait3A_53 = tpu.memref_slice %arg2[%dma_wait3A_43, %dma_wait3A_44, %dma_wait3A_52] : memref<1x1x100000xf32, #tpu.memory_space<hbm>> -> memref<1x1x800xf32, #tpu.memory_space<hbm>>
      %dma_wait3A_54 = tpu.memref_squeeze %dma_wait3A_53 : memref<1x1x800xf32, #tpu.memory_space<hbm>> -> memref<800xf32, #tpu.memory_space<hbm>>
      tpu.wait_dma2 semaphore(%arg14 : memref<!tpu.dma_semaphore, #tpu.memory_space<semaphore_mem>>) src(%dma_wait3A_54 : memref<800xf32, #tpu.memory_space<hbm>>) dst(%dma_wait3A_51 : memref<800xf32, #tpu.memory_space<vmem>>)
    } else {
    }
    %not3A_15 = arith.constant true
    %not3A_16 = arith.xori %eq3A_3, %not3A_15 : i1
    %convert_element_type3A_17 = arith.extui %not3A_16 : i1 to i32
    %cond3A_18 = arith.constant 0 : i32
    %cond3A_19 = arith.cmpi ne, %convert_element_type3A_17, %cond3A_18 : i32
    scf.if %cond3A_19 {
      %dma_wait3A_43 = arith.constant 0 : i32
      %dma_wait3A_44 = arith.constant 0 : i32
      %dma_wait3A_45 = tpu.memref_slice %arg2[%dma_wait3A_43, %dma_wait3A_44, %mul3A_2] : memref<1x1x100000xf32, #tpu.memory_space<hbm>> -> memref<1x1x3200xf32, #tpu.memory_space<hbm>>
      %dma_wait3A_46 = tpu.memref_squeeze %dma_wait3A_45 : memref<1x1x3200xf32, #tpu.memory_space<hbm>> -> memref<3200xf32, #tpu.memory_space<hbm>>
      %dma_wait3A_47 = tpu.memref_slice %arg2[%dma_wait3A_43, %dma_wait3A_44, %mul3A_2] : memref<1x1x100000xf32, #tpu.memory_space<hbm>> -> memref<1x1x3200xf32, #tpu.memory_space<hbm>>
      %dma_wait3A_48 = tpu.memref_squeeze %dma_wait3A_47 : memref<1x1x3200xf32, #tpu.memory_space<hbm>> -> memref<3200xf32, #tpu.memory_space<hbm>>
      tpu.wait_dma2 semaphore(%arg14 : memref<!tpu.dma_semaphore, #tpu.memory_space<semaphore_mem>>) src(%dma_wait3A_48 : memref<3200xf32, #tpu.memory_space<hbm>>) dst(%arg10 : memref<3200xf32, #tpu.memory_space<vmem>>)
    } else {
    }
    %dma_wait3A = arith.constant 0 : i32
    %dma_wait3A_20 = tpu.memref_slice %arg5[%dma_wait3A] : memref<128xf32, #tpu.memory_space<hbm>> -> memref<16xf32, #tpu.memory_space<hbm>>
    %dma_wait3A_21 = arith.constant 0 : i32
    %dma_wait3A_22 = tpu.memref_slice %arg5[%dma_wait3A_21] : memref<128xf32, #tpu.memory_space<hbm>> -> memref<16xf32, #tpu.memory_space<hbm>>
    tpu.wait_dma2 semaphore(%arg15 : memref<!tpu.dma_semaphore, #tpu.memory_space<semaphore_mem>>) src(%dma_wait3A_22 : memref<16xf32, #tpu.memory_space<hbm>>) dst(%arg9 : memref<16xf32, #tpu.memory_space<vmem>>)
    %get3A = arith.constant 0 : index
    %get3A_23 = tpu.vector_load %arg9[%get3A] {strides = array<i32>} : memref<16xf32, #tpu.memory_space<vmem>>, vector<16xf32>,
    "tpu.trace_start"() <{level = 10 : i32, message = "scale"}> : () -> ()
    %scan3A = arith.constant 0 : i32
    %scan3A_24 = arith.constant 0 : i32
    %scan3A_25 = arith.constant 50 : i32
    %scan3A_26 = arith.addi %scan3A_24, %scan3A_25 : i32
    %scan3A_27 = arith.constant 1 : i32
    scf.for %scan3A_43 = %scan3A_24 to %scan3A_26 step %scan3A_27  : i32 {
      %mul3A_44 = arith.constant 4 : i32
      %mul3A_45 = arith.muli %scan3A_43, %mul3A_44 : i32
      %add3A_46 = arith.constant 0 : i32
      %add3A_47 = arith.addi %mul3A_45, %add3A_46 : i32
      %mul3A_48 = arith.constant 16 : i32
      %mul3A_49 = arith.muli %add3A_47, %mul3A_48 : i32
      %get3A_50 = arith.index_cast %mul3A_49 : i32 to index
      %get3A_51 = tpu.vector_load %arg10[%get3A_50] {strides = array<i32>} : memref<3200xf32, #tpu.memory_space<vmem>>, vector<16xf32>,
      %mul3A_52 = arith.mulf %get3A_51, %get3A_23 : vector<16xf32>
      %swap3A = arith.index_cast %mul3A_49 : i32 to index
      %swap3A_53 = tpu.vector_load %arg10[%swap3A] {strides = array<i32>} : memref<3200xf32, #tpu.memory_space<vmem>>, vector<16xf32>,
      tpu.vector_store %arg10[%swap3A], %mul3A_52 {strides = array<i32>} : memref<3200xf32, #tpu.memory_space<vmem>>, vector<16xf32>,
      %mul3A_54 = arith.constant 4 : i32
      %mul3A_55 = arith.muli %scan3A_43, %mul3A_54 : i32
      %add3A_56 = arith.constant 1 : i32
      %add3A_57 = arith.addi %mul3A_55, %add3A_56 : i32
      %mul3A_58 = arith.constant 16 : i32
      %mul3A_59 = arith.muli %add3A_57, %mul3A_58 : i32
      %get3A_60 = arith.index_cast %mul3A_59 : i32 to index
      %get3A_61 = tpu.vector_load %arg10[%get3A_60] {strides = array<i32>} : memref<3200xf32, #tpu.memory_space<vmem>>, vector<16xf32>,
      %mul3A_62 = arith.mulf %get3A_61, %get3A_23 : vector<16xf32>
      %swap3A_63 = arith.index_cast %mul3A_59 : i32 to index
      %swap3A_64 = tpu.vector_load %arg10[%swap3A_63] {strides = array<i32>} : memref<3200xf32, #tpu.memory_space<vmem>>, vector<16xf32>,
      tpu.vector_store %arg10[%swap3A_63], %mul3A_62 {strides = array<i32>} : memref<3200xf32, #tpu.memory_space<vmem>>, vector<16xf32>,
      %mul3A_65 = arith.constant 4 : i32
      %mul3A_66 = arith.muli %scan3A_43, %mul3A_65 : i32
      %add3A_67 = arith.constant 2 : i32
      %add3A_68 = arith.addi %mul3A_66, %add3A_67 : i32
      %mul3A_69 = arith.constant 16 : i32
      %mul3A_70 = arith.muli %add3A_68, %mul3A_69 : i32
      %get3A_71 = arith.index_cast %mul3A_70 : i32 to index
      %get3A_72 = tpu.vector_load %arg10[%get3A_71] {strides = array<i32>} : memref<3200xf32, #tpu.memory_space<vmem>>, vector<16xf32>,
      %mul3A_73 = arith.mulf %get3A_72, %get3A_23 : vector<16xf32>
      %swap3A_74 = arith.index_cast %mul3A_70 : i32 to index
      %swap3A_75 = tpu.vector_load %arg10[%swap3A_74] {strides = array<i32>} : memref<3200xf32, #tpu.memory_space<vmem>>, vector<16xf32>,
      tpu.vector_store %arg10[%swap3A_74], %mul3A_73 {strides = array<i32>} : memref<3200xf32, #tpu.memory_space<vmem>>, vector<16xf32>,
      %mul3A_76 = arith.constant 4 : i32
      %mul3A_77 = arith.muli %scan3A_43, %mul3A_76 : i32
      %add3A_78 = arith.constant 3 : i32
      %add3A_79 = arith.addi %mul3A_77, %add3A_78 : i32
      %mul3A_80 = arith.constant 16 : i32
      %mul3A_81 = arith.muli %add3A_79, %mul3A_80 : i32
      %get3A_82 = arith.index_cast %mul3A_81 : i32 to index
      %get3A_83 = tpu.vector_load %arg10[%get3A_82] {strides = array<i32>} : memref<3200xf32, #tpu.memory_space<vmem>>, vector<16xf32>,
      %mul3A_84 = arith.mulf %get3A_83, %get3A_23 : vector<16xf32>
      %swap3A_85 = arith.index_cast %mul3A_81 : i32 to index
      %swap3A_86 = tpu.vector_load %arg10[%swap3A_85] {strides = array<i32>} : memref<3200xf32, #tpu.memory_space<vmem>>, vector<16xf32>,
      tpu.vector_store %arg10[%swap3A_85], %mul3A_84 {strides = array<i32>} : memref<3200xf32, #tpu.memory_space<vmem>>, vector<16xf32>,
    }
    %scan3A_28 = arith.constant 50 : i32
    "tpu.trace_stop"() : () -> ()
    "tpu.trace_start"() <{level = 10 : i32, message = "wait_ids_src"}> : () -> ()
    tpu.wait_dma2 semaphore(%arg12 : memref<!tpu.dma_semaphore, #tpu.memory_space<semaphore_mem>>) src(%arg3 : memref<8192xi32, #tpu.memory_space<hbm>>) dst(%arg7 : memref<8192xi32, #tpu.memory_space<vmem>>)
    tpu.wait_dma2 semaphore(%arg13 : memref<!tpu.dma_semaphore, #tpu.memory_space<semaphore_mem>>) src(%arg4 : memref<8192xf32, #tpu.memory_space<hbm>>) dst(%arg8 : memref<8192xf32, #tpu.memory_space<vmem>>)
    "tpu.trace_stop"() : () -> ()
    "tpu.trace_start"() <{level = 10 : i32, message = "scatter"}> : () -> ()
    %scan3A_29 = arith.constant 0 : i32
    %scan3A_30 = arith.constant 0 : i32
    %scan3A_31 = arith.constant 64 : i32
    %scan3A_32 = arith.addi %scan3A_30, %scan3A_31 : i32
    %scan3A_33 = arith.constant 1 : i32
    scf.for %scan3A_43 = %scan3A_30 to %scan3A_32 step %scan3A_33  : i32 {
      %mul3A_44 = arith.constant 8 : i32
      %mul3A_45 = arith.muli %scan3A_43, %mul3A_44 : i32
      %add3A_46 = arith.constant 0 : i32
      %add3A_47 = arith.addi %mul3A_45, %add3A_46 : i32
      %mul3A_48 = arith.constant 16 : i32
      %mul3A_49 = arith.muli %add3A_47, %mul3A_48 : i32
      %get3A_50 = arith.index_cast %mul3A_49 : i32 to index
      %get3A_51 = tpu.vector_load %arg7[%get3A_50] {strides = array<i32>} : memref<8192xi32, #tpu.memory_space<vmem>>, vector<16xi32>,
      %sub3A = vector.broadcast %mul3A_2 : i32 to vector<16xi32>
      %sub3A_52 = arith.subi %get3A_51, %sub3A : vector<16xi32>
      %ge3A = arith.constant 0 : i32
      %ge3A_53 = vector.broadcast %ge3A : i32 to vector<16xi32>
      %ge3A_54 = arith.cmpi sge, %sub3A_52, %ge3A_53 : vector<16xi32>
      %lt3A = arith.constant 3200 : i32
      %lt3A_55 = vector.broadcast %lt3A : i32 to vector<16xi32>
      %lt3A_56 = arith.cmpi slt, %sub3A_52, %lt3A_55 : vector<16xi32>
      %and3A = arith.andi %ge3A_54, %lt3A_56 : vector<16xi1>
      %jit3A = arith.constant 0 : i32
      %broadcast_in_dim3A = vector.broadcast %jit3A : i32 to vector<16xi32>
      %select_n3A = arith.select %and3A, %sub3A_52, %broadcast_in_dim3A : vector<16xi1>, vector<16xi32>
      %get3A_57 = arith.index_cast %mul3A_49 : i32 to index
      %get3A_58 = tpu.vector_load %arg8[%get3A_57] {strides = array<i32>} : memref<8192xf32, #tpu.memory_space<vmem>>, vector<16xf32>,
      tpu.vector_store_idx %arg10[%select_n3A], %get3A_58 masked %and3A {add = true} : memref<3200xf32, #tpu.memory_space<vmem>>[vector<16xi32>], vector<16xf32>, vector<16xi1>
      %mul3A_59 = arith.constant 8 : i32
      %mul3A_60 = arith.muli %scan3A_43, %mul3A_59 : i32
      %add3A_61 = arith.constant 1 : i32
      %add3A_62 = arith.addi %mul3A_60, %add3A_61 : i32
      %mul3A_63 = arith.constant 16 : i32
      %mul3A_64 = arith.muli %add3A_62, %mul3A_63 : i32
      %get3A_65 = arith.index_cast %mul3A_64 : i32 to index
      %get3A_66 = tpu.vector_load %arg7[%get3A_65] {strides = array<i32>} : memref<8192xi32, #tpu.memory_space<vmem>>, vector<16xi32>,
      %sub3A_67 = vector.broadcast %mul3A_2 : i32 to vector<16xi32>
      %sub3A_68 = arith.subi %get3A_66, %sub3A_67 : vector<16xi32>
      %ge3A_69 = arith.constant 0 : i32
      %ge3A_70 = vector.broadcast %ge3A_69 : i32 to vector<16xi32>
      %ge3A_71 = arith.cmpi sge, %sub3A_68, %ge3A_70 : vector<16xi32>
      %lt3A_72 = arith.constant 3200 : i32
      %lt3A_73 = vector.broadcast %lt3A_72 : i32 to vector<16xi32>
      %lt3A_74 = arith.cmpi slt, %sub3A_68, %lt3A_73 : vector<16xi32>
      %and3A_75 = arith.andi %ge3A_71, %lt3A_74 : vector<16xi1>
      %jit3A_76 = arith.constant 0 : i32
      %broadcast_in_dim3A_77 = vector.broadcast %jit3A_76 : i32 to vector<16xi32>
      %select_n3A_78 = arith.select %and3A_75, %sub3A_68, %broadcast_in_dim3A_77 : vector<16xi1>, vector<16xi32>
      %get3A_79 = arith.index_cast %mul3A_64 : i32 to index
      %get3A_80 = tpu.vector_load %arg8[%get3A_79] {strides = array<i32>} : memref<8192xf32, #tpu.memory_space<vmem>>, vector<16xf32>,
      tpu.vector_store_idx %arg10[%select_n3A_78], %get3A_80 masked %and3A_75 {add = true} : memref<3200xf32, #tpu.memory_space<vmem>>[vector<16xi32>], vector<16xf32>, vector<16xi1>
      %mul3A_81 = arith.constant 8 : i32
      %mul3A_82 = arith.muli %scan3A_43, %mul3A_81 : i32
      %add3A_83 = arith.constant 2 : i32
      %add3A_84 = arith.addi %mul3A_82, %add3A_83 : i32
      %mul3A_85 = arith.constant 16 : i32
      %mul3A_86 = arith.muli %add3A_84, %mul3A_85 : i32
      %get3A_87 = arith.index_cast %mul3A_86 : i32 to index
      %get3A_88 = tpu.vector_load %arg7[%get3A_87] {strides = array<i32>} : memref<8192xi32, #tpu.memory_space<vmem>>, vector<16xi32>,
      %sub3A_89 = vector.broadcast %mul3A_2 : i32 to vector<16xi32>
      %sub3A_90 = arith.subi %get3A_88, %sub3A_89 : vector<16xi32>
      %ge3A_91 = arith.constant 0 : i32
      %ge3A_92 = vector.broadcast %ge3A_91 : i32 to vector<16xi32>
      %ge3A_93 = arith.cmpi sge, %sub3A_90, %ge3A_92 : vector<16xi32>
      %lt3A_94 = arith.constant 3200 : i32
      %lt3A_95 = vector.broadcast %lt3A_94 : i32 to vector<16xi32>
      %lt3A_96 = arith.cmpi slt, %sub3A_90, %lt3A_95 : vector<16xi32>
      %and3A_97 = arith.andi %ge3A_93, %lt3A_96 : vector<16xi1>
      %jit3A_98 = arith.constant 0 : i32
      %broadcast_in_dim3A_99 = vector.broadcast %jit3A_98 : i32 to vector<16xi32>
      %select_n3A_100 = arith.select %and3A_97, %sub3A_90, %broadcast_in_dim3A_99 : vector<16xi1>, vector<16xi32>
      %get3A_101 = arith.index_cast %mul3A_86 : i32 to index
      %get3A_102 = tpu.vector_load %arg8[%get3A_101] {strides = array<i32>} : memref<8192xf32, #tpu.memory_space<vmem>>, vector<16xf32>,
      tpu.vector_store_idx %arg10[%select_n3A_100], %get3A_102 masked %and3A_97 {add = true} : memref<3200xf32, #tpu.memory_space<vmem>>[vector<16xi32>], vector<16xf32>, vector<16xi1>
      %mul3A_103 = arith.constant 8 : i32
      %mul3A_104 = arith.muli %scan3A_43, %mul3A_103 : i32
      %add3A_105 = arith.constant 3 : i32
      %add3A_106 = arith.addi %mul3A_104, %add3A_105 : i32
      %mul3A_107 = arith.constant 16 : i32
      %mul3A_108 = arith.muli %add3A_106, %mul3A_107 : i32
      %get3A_109 = arith.index_cast %mul3A_108 : i32 to index
      %get3A_110 = tpu.vector_load %arg7[%get3A_109] {strides = array<i32>} : memref<8192xi32, #tpu.memory_space<vmem>>, vector<16xi32>,
      %sub3A_111 = vector.broadcast %mul3A_2 : i32 to vector<16xi32>
      %sub3A_112 = arith.subi %get3A_110, %sub3A_111 : vector<16xi32>
      %ge3A_113 = arith.constant 0 : i32
      %ge3A_114 = vector.broadcast %ge3A_113 : i32 to vector<16xi32>
      %ge3A_115 = arith.cmpi sge, %sub3A_112, %ge3A_114 : vector<16xi32>
      %lt3A_116 = arith.constant 3200 : i32
      %lt3A_117 = vector.broadcast %lt3A_116 : i32 to vector<16xi32>
      %lt3A_118 = arith.cmpi slt, %sub3A_112, %lt3A_117 : vector<16xi32>
      %and3A_119 = arith.andi %ge3A_115, %lt3A_118 : vector<16xi1>
      %jit3A_120 = arith.constant 0 : i32
      %broadcast_in_dim3A_121 = vector.broadcast %jit3A_120 : i32 to vector<16xi32>
      %select_n3A_122 = arith.select %and3A_119, %sub3A_112, %broadcast_in_dim3A_121 : vector<16xi1>, vector<16xi32>
      %get3A_123 = arith.index_cast %mul3A_108 : i32 to index
      %get3A_124 = tpu.vector_load %arg8[%get3A_123] {strides = array<i32>} : memref<8192xf32, #tpu.memory_space<vmem>>, vector<16xf32>,
      tpu.vector_store_idx %arg10[%select_n3A_122], %get3A_124 masked %and3A_119 {add = true} : memref<3200xf32, #tpu.memory_space<vmem>>[vector<16xi32>], vector<16xf32>, vector<16xi1>
      %mul3A_125 = arith.constant 8 : i32
      %mul3A_126 = arith.muli %scan3A_43, %mul3A_125 : i32
      %add3A_127 = arith.constant 4 : i32
      %add3A_128 = arith.addi %mul3A_126, %add3A_127 : i32
      %mul3A_129 = arith.constant 16 : i32
      %mul3A_130 = arith.muli %add3A_128, %mul3A_129 : i32
      %get3A_131 = arith.index_cast %mul3A_130 : i32 to index
      %get3A_132 = tpu.vector_load %arg7[%get3A_131] {strides = array<i32>} : memref<8192xi32, #tpu.memory_space<vmem>>, vector<16xi32>,
      %sub3A_133 = vector.broadcast %mul3A_2 : i32 to vector<16xi32>
      %sub3A_134 = arith.subi %get3A_132, %sub3A_133 : vector<16xi32>
      %ge3A_135 = arith.constant 0 : i32
      %ge3A_136 = vector.broadcast %ge3A_135 : i32 to vector<16xi32>
      %ge3A_137 = arith.cmpi sge, %sub3A_134, %ge3A_136 : vector<16xi32>
      %lt3A_138 = arith.constant 3200 : i32
      %lt3A_139 = vector.broadcast %lt3A_138 : i32 to vector<16xi32>
      %lt3A_140 = arith.cmpi slt, %sub3A_134, %lt3A_139 : vector<16xi32>
      %and3A_141 = arith.andi %ge3A_137, %lt3A_140 : vector<16xi1>
      %jit3A_142 = arith.constant 0 : i32
      %broadcast_in_dim3A_143 = vector.broadcast %jit3A_142 : i32 to vector<16xi32>
      %select_n3A_144 = arith.select %and3A_141, %sub3A_134, %broadcast_in_dim3A_143 : vector<16xi1>, vector<16xi32>
      %get3A_145 = arith.index_cast %mul3A_130 : i32 to index
      %get3A_146 = tpu.vector_load %arg8[%get3A_145] {strides = array<i32>} : memref<8192xf32, #tpu.memory_space<vmem>>, vector<16xf32>,
      tpu.vector_store_idx %arg10[%select_n3A_144], %get3A_146 masked %and3A_141 {add = true} : memref<3200xf32, #tpu.memory_space<vmem>>[vector<16xi32>], vector<16xf32>, vector<16xi1>
      %mul3A_147 = arith.constant 8 : i32
      %mul3A_148 = arith.muli %scan3A_43, %mul3A_147 : i32
      %add3A_149 = arith.constant 5 : i32
      %add3A_150 = arith.addi %mul3A_148, %add3A_149 : i32
      %mul3A_151 = arith.constant 16 : i32
      %mul3A_152 = arith.muli %add3A_150, %mul3A_151 : i32
      %get3A_153 = arith.index_cast %mul3A_152 : i32 to index
      %get3A_154 = tpu.vector_load %arg7[%get3A_153] {strides = array<i32>} : memref<8192xi32, #tpu.memory_space<vmem>>, vector<16xi32>,
      %sub3A_155 = vector.broadcast %mul3A_2 : i32 to vector<16xi32>
      %sub3A_156 = arith.subi %get3A_154, %sub3A_155 : vector<16xi32>
      %ge3A_157 = arith.constant 0 : i32
      %ge3A_158 = vector.broadcast %ge3A_157 : i32 to vector<16xi32>
      %ge3A_159 = arith.cmpi sge, %sub3A_156, %ge3A_158 : vector<16xi32>
      %lt3A_160 = arith.constant 3200 : i32
      %lt3A_161 = vector.broadcast %lt3A_160 : i32 to vector<16xi32>
      %lt3A_162 = arith.cmpi slt, %sub3A_156, %lt3A_161 : vector<16xi32>
      %and3A_163 = arith.andi %ge3A_159, %lt3A_162 : vector<16xi1>
      %jit3A_164 = arith.constant 0 : i32
      %broadcast_in_dim3A_165 = vector.broadcast %jit3A_164 : i32 to vector<16xi32>
      %select_n3A_166 = arith.select %and3A_163, %sub3A_156, %broadcast_in_dim3A_165 : vector<16xi1>, vector<16xi32>
      %get3A_167 = arith.index_cast %mul3A_152 : i32 to index
      %get3A_168 = tpu.vector_load %arg8[%get3A_167] {strides = array<i32>} : memref<8192xf32, #tpu.memory_space<vmem>>, vector<16xf32>,
      tpu.vector_store_idx %arg10[%select_n3A_166], %get3A_168 masked %and3A_163 {add = true} : memref<3200xf32, #tpu.memory_space<vmem>>[vector<16xi32>], vector<16xf32>, vector<16xi1>
      %mul3A_169 = arith.constant 8 : i32
      %mul3A_170 = arith.muli %scan3A_43, %mul3A_169 : i32
      %add3A_171 = arith.constant 6 : i32
      %add3A_172 = arith.addi %mul3A_170, %add3A_171 : i32
      %mul3A_173 = arith.constant 16 : i32
      %mul3A_174 = arith.muli %add3A_172, %mul3A_173 : i32
      %get3A_175 = arith.index_cast %mul3A_174 : i32 to index
      %get3A_176 = tpu.vector_load %arg7[%get3A_175] {strides = array<i32>} : memref<8192xi32, #tpu.memory_space<vmem>>, vector<16xi32>,
      %sub3A_177 = vector.broadcast %mul3A_2 : i32 to vector<16xi32>
      %sub3A_178 = arith.subi %get3A_176, %sub3A_177 : vector<16xi32>
      %ge3A_179 = arith.constant 0 : i32
      %ge3A_180 = vector.broadcast %ge3A_179 : i32 to vector<16xi32>
      %ge3A_181 = arith.cmpi sge, %sub3A_178, %ge3A_180 : vector<16xi32>
      %lt3A_182 = arith.constant 3200 : i32
      %lt3A_183 = vector.broadcast %lt3A_182 : i32 to vector<16xi32>
      %lt3A_184 = arith.cmpi slt, %sub3A_178, %lt3A_183 : vector<16xi32>
      %and3A_185 = arith.andi %ge3A_181, %lt3A_184 : vector<16xi1>
      %jit3A_186 = arith.constant 0 : i32
      %broadcast_in_dim3A_187 = vector.broadcast %jit3A_186 : i32 to vector<16xi32>
      %select_n3A_188 = arith.select %and3A_185, %sub3A_178, %broadcast_in_dim3A_187 : vector<16xi1>, vector<16xi32>
      %get3A_189 = arith.index_cast %mul3A_174 : i32 to index
      %get3A_190 = tpu.vector_load %arg8[%get3A_189] {strides = array<i32>} : memref<8192xf32, #tpu.memory_space<vmem>>, vector<16xf32>,
      tpu.vector_store_idx %arg10[%select_n3A_188], %get3A_190 masked %and3A_185 {add = true} : memref<3200xf32, #tpu.memory_space<vmem>>[vector<16xi32>], vector<16xf32>, vector<16xi1>
      %mul3A_191 = arith.constant 8 : i32
      %mul3A_192 = arith.muli %scan3A_43, %mul3A_191 : i32
      %add3A_193 = arith.constant 7 : i32
      %add3A_194 = arith.addi %mul3A_192, %add3A_193 : i32
      %mul3A_195 = arith.constant 16 : i32
      %mul3A_196 = arith.muli %add3A_194, %mul3A_195 : i32
      %get3A_197 = arith.index_cast %mul3A_196 : i32 to index
      %get3A_198 = tpu.vector_load %arg7[%get3A_197] {strides = array<i32>} : memref<8192xi32, #tpu.memory_space<vmem>>, vector<16xi32>,
      %sub3A_199 = vector.broadcast %mul3A_2 : i32 to vector<16xi32>
      %sub3A_200 = arith.subi %get3A_198, %sub3A_199 : vector<16xi32>
      %ge3A_201 = arith.constant 0 : i32
      %ge3A_202 = vector.broadcast %ge3A_201 : i32 to vector<16xi32>
      %ge3A_203 = arith.cmpi sge, %sub3A_200, %ge3A_202 : vector<16xi32>
      %lt3A_204 = arith.constant 3200 : i32
      %lt3A_205 = vector.broadcast %lt3A_204 : i32 to vector<16xi32>
      %lt3A_206 = arith.cmpi slt, %sub3A_200, %lt3A_205 : vector<16xi32>
      %and3A_207 = arith.andi %ge3A_203, %lt3A_206 : vector<16xi1>
      %jit3A_208 = arith.constant 0 : i32
      %broadcast_in_dim3A_209 = vector.broadcast %jit3A_208 : i32 to vector<16xi32>
      %select_n3A_210 = arith.select %and3A_207, %sub3A_200, %broadcast_in_dim3A_209 : vector<16xi1>, vector<16xi32>
      %get3A_211 = arith.index_cast %mul3A_196 : i32 to index
      %get3A_212 = tpu.vector_load %arg8[%get3A_211] {strides = array<i32>} : memref<8192xf32, #tpu.memory_space<vmem>>, vector<16xf32>,
      tpu.vector_store_idx %arg10[%select_n3A_210], %get3A_212 masked %and3A_207 {add = true} : memref<3200xf32, #tpu.memory_space<vmem>>[vector<16xi32>], vector<16xf32>, vector<16xi1>
    }
    %scan3A_34 = arith.constant 64 : i32
    "tpu.trace_stop"() : () -> ()
    %convert_element_type3A_35 = arith.extui %eq3A_3 : i1 to i32
    %cond3A_36 = arith.constant 0 : i32
    %cond3A_37 = arith.cmpi ne, %convert_element_type3A_35, %cond3A_36 : i32
    scf.if %cond3A_37 {
      %run_scoped3A = arith.constant 0 : i32
      %run_scoped3A_43 = arith.constant 0 : i32
      "tpu.region"() ({
        %run_scoped3A_44 = tpu.sem_alloc : memref<!tpu.dma_semaphore, #tpu.memory_space<semaphore_mem>>
        %dma_start3A_45 = arith.constant 0 : i32
        %dma_start3A_46 = tpu.memref_slice %arg10[%dma_start3A_45] : memref<3200xf32, #tpu.memory_space<vmem>> -> memref<800xf32, #tpu.memory_space<vmem>>
        %dma_start3A_47 = arith.constant 99200 : i32
        %dma_start3A_48 = tpu.memref_slice %arg6[%run_scoped3A, %run_scoped3A_43, %dma_start3A_47] : memref<1x1x100000xf32, #tpu.memory_space<hbm>> -> memref<1x1x800xf32, #tpu.memory_space<hbm>>
        %dma_start3A_49 = tpu.memref_squeeze %dma_start3A_48 : memref<1x1x800xf32, #tpu.memory_space<hbm>> -> memref<800xf32, #tpu.memory_space<hbm>>
        %dma_start3A_50 = arith.constant 99200 : i32
        %dma_start3A_51 = tpu.memref_slice %arg6[%run_scoped3A, %run_scoped3A_43, %dma_start3A_50] : memref<1x1x100000xf32, #tpu.memory_space<hbm>> -> memref<1x1x800xf32, #tpu.memory_space<hbm>>
        %dma_start3A_52 = tpu.memref_squeeze %dma_start3A_51 : memref<1x1x800xf32, #tpu.memory_space<hbm>> -> memref<800xf32, #tpu.memory_space<hbm>>
        %dma_start3A_53 = arith.constant 0 : i32
        %dma_start3A_54 = tpu.memref_slice %arg10[%dma_start3A_53] : memref<3200xf32, #tpu.memory_space<vmem>> -> memref<800xf32, #tpu.memory_space<vmem>>
        tpu.enqueue_dma source(%dma_start3A_54 : memref<800xf32, #tpu.memory_space<vmem>>) target(%dma_start3A_52 : memref<800xf32, #tpu.memory_space<hbm>>) target_semaphore(%run_scoped3A_44 : memref<!tpu.dma_semaphore, #tpu.memory_space<semaphore_mem>>)
        %dma_wait3A_55 = arith.constant 0 : i32
        %dma_wait3A_56 = tpu.memref_slice %arg10[%dma_wait3A_55] : memref<3200xf32, #tpu.memory_space<vmem>> -> memref<800xf32, #tpu.memory_space<vmem>>
        %dma_wait3A_57 = arith.constant 99200 : i32
        %dma_wait3A_58 = tpu.memref_slice %arg6[%run_scoped3A, %run_scoped3A_43, %dma_wait3A_57] : memref<1x1x100000xf32, #tpu.memory_space<hbm>> -> memref<1x1x800xf32, #tpu.memory_space<hbm>>
        %dma_wait3A_59 = tpu.memref_squeeze %dma_wait3A_58 : memref<1x1x800xf32, #tpu.memory_space<hbm>> -> memref<800xf32, #tpu.memory_space<hbm>>
        %dma_wait3A_60 = arith.constant 99200 : i32
        %dma_wait3A_61 = tpu.memref_slice %arg6[%run_scoped3A, %run_scoped3A_43, %dma_wait3A_60] : memref<1x1x100000xf32, #tpu.memory_space<hbm>> -> memref<1x1x800xf32, #tpu.memory_space<hbm>>
        %dma_wait3A_62 = tpu.memref_squeeze %dma_wait3A_61 : memref<1x1x800xf32, #tpu.memory_space<hbm>> -> memref<800xf32, #tpu.memory_space<hbm>>
        %dma_wait3A_63 = arith.constant 0 : i32
        %dma_wait3A_64 = tpu.memref_slice %arg10[%dma_wait3A_63] : memref<3200xf32, #tpu.memory_space<vmem>> -> memref<800xf32, #tpu.memory_space<vmem>>
        tpu.wait_dma2 semaphore(%run_scoped3A_44 : memref<!tpu.dma_semaphore, #tpu.memory_space<semaphore_mem>>) src(%dma_wait3A_64 : memref<800xf32, #tpu.memory_space<vmem>>) dst(%dma_wait3A_62 : memref<800xf32, #tpu.memory_space<hbm>>)
        tpu.yield
      }) : () -> ()
    } else {
    }
    %not3A_38 = arith.constant true
    %not3A_39 = arith.xori %eq3A_3, %not3A_38 : i1
    %convert_element_type3A_40 = arith.extui %not3A_39 : i1 to i32
    %cond3A_41 = arith.constant 0 : i32
    %cond3A_42 = arith.cmpi ne, %convert_element_type3A_40, %cond3A_41 : i32
    scf.if %cond3A_42 {
      %run_scoped3A = arith.constant 0 : i32
      %run_scoped3A_43 = arith.constant 0 : i32
      "tpu.region"() ({
        %run_scoped3A_44 = tpu.sem_alloc : memref<!tpu.dma_semaphore, #tpu.memory_space<semaphore_mem>>
        %dma_start3A_45 = tpu.memref_slice %arg6[%run_scoped3A, %run_scoped3A_43, %mul3A_2] : memref<1x1x100000xf32, #tpu.memory_space<hbm>> -> memref<1x1x3200xf32, #tpu.memory_space<hbm>>
        %dma_start3A_46 = tpu.memref_squeeze %dma_start3A_45 : memref<1x1x3200xf32, #tpu.memory_space<hbm>> -> memref<3200xf32, #tpu.memory_space<hbm>>
        %dma_start3A_47 = tpu.memref_slice %arg6[%run_scoped3A, %run_scoped3A_43, %mul3A_2] : memref<1x1x100000xf32, #tpu.memory_space<hbm>> -> memref<1x1x3200xf32, #tpu.memory_space<hbm>>
        %dma_start3A_48 = tpu.memref_squeeze %dma_start3A_47 : memref<1x1x3200xf32, #tpu.memory_space<hbm>> -> memref<3200xf32, #tpu.memory_space<hbm>>
        tpu.enqueue_dma source(%arg10 : memref<3200xf32, #tpu.memory_space<vmem>>) target(%dma_start3A_48 : memref<3200xf32, #tpu.memory_space<hbm>>) target_semaphore(%run_scoped3A_44 : memref<!tpu.dma_semaphore, #tpu.memory_space<semaphore_mem>>)
        %dma_wait3A_49 = tpu.memref_slice %arg6[%run_scoped3A, %run_scoped3A_43, %mul3A_2] : memref<1x1x100000xf32, #tpu.memory_space<hbm>> -> memref<1x1x3200xf32, #tpu.memory_space<hbm>>
        %dma_wait3A_50 = tpu.memref_squeeze %dma_wait3A_49 : memref<1x1x3200xf32, #tpu.memory_space<hbm>> -> memref<3200xf32, #tpu.memory_space<hbm>>
        %dma_wait3A_51 = tpu.memref_slice %arg6[%run_scoped3A, %run_scoped3A_43, %mul3A_2] : memref<1x1x100000xf32, #tpu.memory_space<hbm>> -> memref<1x1x3200xf32, #tpu.memory_space<hbm>>
        %dma_wait3A_52 = tpu.memref_squeeze %dma_wait3A_51 : memref<1x1x3200xf32, #tpu.memory_space<hbm>> -> memref<3200xf32, #tpu.memory_space<hbm>>
        tpu.wait_dma2 semaphore(%run_scoped3A_44 : memref<!tpu.dma_semaphore, #tpu.memory_space<semaphore_mem>>) src(%arg10 : memref<3200xf32, #tpu.memory_space<vmem>>) dst(%dma_wait3A_52 : memref<3200xf32, #tpu.memory_space<hbm>>)
        tpu.yield
      }) : () -> ()
    } else {
    }
    return
  }
}

module attributes {stable_mosaic.version = 14 : i64} {
  func.func @_tc_body(%arg0: i32, %arg1: memref<1xf32, #tpu.memory_space<smem>>, %arg2: memref<1xf32, #tpu.memory_space<smem>>, %arg3: memref<1x1024xf32, #tpu.memory_space<vmem>>, %arg4: memref<1x1024xf32, #tpu.memory_space<vmem>>, %arg5: memref<32x128x384xf32, #tpu.memory_space<vmem>>, %arg6: memref<1x1x384xf32, #tpu.memory_space<vmem>>, %arg7: memref<32x128xf32, #tpu.memory_space<vmem>>, %arg8: memref<1x128xf32, #tpu.memory_space<vmem>>, %arg9: memref<1xf32, #tpu.memory_space<smem>>) attributes {dimension_semantics = [#tpu.dimension_semantics<arbitrary>], iteration_bounds = array<i64: 2>, scalar_prefetch = 0 : i64, scratch_operands = 0 : i64, tpu.core_type = #tpu.core_type<tc>, window_params = [{transform_indices = @transform_0, window_bounds = array<i64: 1>}, {transform_indices = @transform_1, window_bounds = array<i64: 1>}, {pipeline_mode = #tpu.pipeline_mode<synchronous>, transform_indices = @transform_2, window_bounds = array<i64: 1, 1024>}, {pipeline_mode = #tpu.pipeline_mode<synchronous>, transform_indices = @transform_3, window_bounds = array<i64: 1, 1024>}, {transform_indices = @transform_4, window_bounds = array<i64: 32, 128, 384>}, {pipeline_mode = #tpu.pipeline_mode<synchronous>, transform_indices = @transform_5, window_bounds = array<i64: 1, 1, 384>}, {transform_indices = @transform_6, window_bounds = array<i64: 32, 128>}, {pipeline_mode = #tpu.pipeline_mode<synchronous>, transform_indices = @transform_7, window_bounds = array<i64: 1, 128>}, {transform_indices = @transform_8, window_bounds = array<i64: 1>}]} {
    %get3A = arith.constant 0 : index
    %get3A_0 = arith.constant 0 : index
    %get3A_1 = vector.load %arg3[%get3A, %get3A_0] : memref<1x1024xf32, #tpu.memory_space<vmem>>, vector<1x1024xf32>
    %get3A_2 = arith.constant 0 : index
    %get3A_3 = arith.constant 0 : index
    %get3A_4 = vector.load %arg4[%get3A_2, %get3A_3] : memref<1x1024xf32, #tpu.memory_space<vmem>>, vector<1x1024xf32>
    %mul3A = arith.mulf %get3A_1, %get3A_4 : vector<1x1024xf32>
    %reduce_sum3A = vector.shape_cast %mul3A : vector<1x1024xf32> to vector<1x1x1024xf32>
    %reduce_sum3A_5 = arith.constant dense<0.000000e+00> : vector<1xf32>
    %reduce_sum3A_6 = vector.multi_reduction <add>, %reduce_sum3A, %reduce_sum3A_5 [1, 2] : vector<1x1x1024xf32> to vector<1xf32>
    %reduce_sum3A_7 = vector.shape_cast %reduce_sum3A_6 : vector<1xf32> to vector<1x1x1xf32>
    %reduce_sum3A_8 = vector.extract %reduce_sum3A_7[0, 0, 0] : f32 from vector<1x1x1xf32>
    %get3A_9 = arith.constant 0 : index
    %get3A_10 = memref.load %arg1[%get3A_9] : memref<1xf32, #tpu.memory_space<smem>>
    %add3A = arith.addf %reduce_sum3A_8, %get3A_10 : f32
    %logistic3A = arith.negf %add3A : f32
    %logistic3A_11 = math.exp %logistic3A : f32
    %logistic3A_12 = arith.constant 1.000000e+00 : f32
    %logistic3A_13 = arith.addf %logistic3A_12, %logistic3A_11 : f32
    %logistic3A_14 = arith.divf %logistic3A_12, %logistic3A_13 : f32
    %get3A_15 = arith.constant 0 : index
    %get3A_16 = arith.constant 0 : index
    %get3A_17 = arith.constant 0 : index
    %get3A_18 = vector.load %arg5[%get3A_15, %get3A_16, %get3A_17] : memref<32x128x384xf32, #tpu.memory_space<vmem>>, vector<32x128x384xf32>
    %get3A_19 = arith.constant 0 : index
    %get3A_20 = arith.constant 0 : index
    %get3A_21 = arith.constant 0 : index
    %get3A_22 = vector.load %arg6[%get3A_19, %get3A_20, %get3A_21] : memref<1x1x384xf32, #tpu.memory_space<vmem>>, vector<1x1x384xf32>
    %mul3A_23 = vector.broadcast %get3A_22 : vector<1x1x384xf32> to vector<32x128x384xf32>
    %mul3A_24 = arith.mulf %get3A_18, %mul3A_23 : vector<32x128x384xf32>
    %reduce_sum3A_25 = arith.constant dense<0.000000e+00> : vector<32x128xf32>
    %reduce_sum3A_26 = vector.multi_reduction <add>, %mul3A_24, %reduce_sum3A_25 [2] : vector<32x128x384xf32> to vector<32x128xf32>
    %sub3A = arith.constant 1.000000e+00 : f32
    %sub3A_27 = arith.subf %sub3A, %logistic3A_14 : f32
    %get3A_28 = arith.constant 0 : index
    %get3A_29 = memref.load %arg2[%get3A_28] : memref<1xf32, #tpu.memory_space<smem>>
    %add3A_30 = vector.broadcast %get3A_29 : f32 to vector<32x128xf32>
    %add3A_31 = arith.addf %reduce_sum3A_26, %add3A_30 : vector<32x128xf32>
    %max3A = arith.constant 0.000000e+00 : f32
    %max3A_32 = vector.broadcast %max3A : f32 to vector<32x128xf32>
    %max3A_33 = arith.maximumf %add3A_31, %max3A_32 : vector<32x128xf32>
    %mul3A_34 = vector.broadcast %sub3A_27 : f32 to vector<32x128xf32>
    %mul3A_35 = arith.mulf %mul3A_34, %max3A_33 : vector<32x128xf32>
    %swap3A = arith.constant 0 : index
    %swap3A_36 = arith.constant 0 : index
    %swap3A_37 = vector.load %arg7[%swap3A, %swap3A_36] : memref<32x128xf32, #tpu.memory_space<vmem>>, vector<32x128xf32>
    tpu.vector_store %arg7[%swap3A, %swap3A_36], %mul3A_35 {strides = array<i32>} : memref<32x128xf32, #tpu.memory_space<vmem>>, vector<32x128xf32>,
    %eq3A = arith.constant 0 : i32
    %eq3A_38 = arith.cmpi eq, %arg0, %eq3A : i32
    %convert_element_type3A = arith.extui %eq3A_38 : i1 to i32
    %cond3A = arith.constant 0 : i32
    %cond3A_39 = arith.cmpi ne, %convert_element_type3A, %cond3A : i32
    scf.if %cond3A_39 {
      %broadcast_in_dim3A = vector.broadcast %logistic3A_14 : f32 to vector<1x128xf32>
      %swap3A_40 = arith.constant 0 : index
      %swap3A_41 = arith.constant 0 : index
      %swap3A_42 = vector.load %arg8[%swap3A_40, %swap3A_41] : memref<1x128xf32, #tpu.memory_space<vmem>>, vector<1x128xf32>
      tpu.vector_store %arg8[%swap3A_40, %swap3A_41], %broadcast_in_dim3A {strides = array<i32>} : memref<1x128xf32, #tpu.memory_space<vmem>>, vector<1x128xf32>,
      %swap3A_43 = arith.constant 0 : index
      %swap3A_44 = memref.load %arg9[%swap3A_43] : memref<1xf32, #tpu.memory_space<smem>>
      memref.store %logistic3A_14, %arg9[%swap3A_43] : memref<1xf32, #tpu.memory_space<smem>>
    } else {
    }
    return
  }
  func.func @transform_0(%arg0: i32) -> i32 {
    %c0_i32 = arith.constant 0 : i32
    %c0_i32_0 = arith.constant 0 : i32
    return %c0_i32 : i32
  }
  func.func @transform_1(%arg0: i32) -> i32 {
    %c0_i32 = arith.constant 0 : i32
    %c0_i32_0 = arith.constant 0 : i32
    return %c0_i32 : i32
  }
  func.func @transform_2(%arg0: i32) -> (i32, i32) {
    %c0_i32 = arith.constant 0 : i32
    %c0_i32_0 = arith.constant 0 : i32
    %c0_i32_1 = arith.constant 0 : i32
    return %c0_i32, %c0_i32_0 : i32, i32
  }
  func.func @transform_3(%arg0: i32) -> (i32, i32) {
    %c0_i32 = arith.constant 0 : i32
    %c0_i32_0 = arith.constant 0 : i32
    %c0_i32_1 = arith.constant 0 : i32
    return %c0_i32, %c0_i32_0 : i32, i32
  }
  func.func @transform_4(%arg0: i32) -> (i32, i32, i32) {
    %c0_i32 = arith.constant 0 : i32
    %c0_i32_0 = arith.constant 0 : i32
    %c0_i32_1 = arith.constant 0 : i32
    return %arg0, %c0_i32, %c0_i32_0 : i32, i32, i32
  }
  func.func @transform_5(%arg0: i32) -> (i32, i32, i32) {
    %c0_i32 = arith.constant 0 : i32
    %c0_i32_0 = arith.constant 0 : i32
    %c0_i32_1 = arith.constant 0 : i32
    %c0_i32_2 = arith.constant 0 : i32
    return %c0_i32, %c0_i32_0, %c0_i32_1 : i32, i32, i32
  }
  func.func @transform_6(%arg0: i32) -> (i32, i32) {
    %c0_i32 = arith.constant 0 : i32
    %c0_i32_0 = arith.constant 0 : i32
    return %arg0, %c0_i32 : i32, i32
  }
  func.func @transform_7(%arg0: i32) -> (i32, i32) {
    %c0_i32 = arith.constant 0 : i32
    %c0_i32_0 = arith.constant 0 : i32
    %c0_i32_1 = arith.constant 0 : i32
    return %c0_i32, %c0_i32_0 : i32, i32
  }
  func.func @transform_8(%arg0: i32) -> i32 {
    %c0_i32 = arith.constant 0 : i32
    %c0_i32_0 = arith.constant 0 : i32
    return %c0_i32 : i32
  }
}

</mosaic_0001>

<sc_bundles>
// kernel: kernel.4.cloned.1.call-start
scs
__scs_entry_jumppad:
0x0: {  	(pc) =	sbr.rel $0x88, $3  }
0x1: {  	(tag) =	ssettag $0x0;
	lr =	simm.s32 $0x1  }
0x2: {  	[smem:$0x3F99] =	sst lr;
	_ =	strace $0xD0000000  }
0x3: {  	_ = 	snop  }
0x4: {  	_ = 	snop  }
0x5: {  	_ = 	snop  }
0x6: {  	_ = 	snop  }
0x7: {  	_ = 	snop  }
__scs_overlays_trampoline_lowered:
0x8: {  	[smem:$0x3FA8] =	sst s0  }
0x9: {  	[smem:$0x3FA9] =	sst s1  }
0xa: {  	[smem:$0x3FAA] =	sst s2  }
0xb: {  	[smem:$0x3FAB] =	sst s3  }
0xc: {  	[smem:$0x3FAC] =	sst s4  }
0xd: {  	[smem:$0x3FAD] =	sst s5  }
0xe: {  	[smem:$0x3FAE] =	sst s6  }
0xf: {  	[smem:$0x3FAF] =	sst s7  }
0x10: {  	[smem:$0x3FB0] =	sst s8  }
0x11: {  	[smem:$0x3FB1] =	sst s9;
	s0 =	simm.s32 @!p0 $0x0  }
0x12: {  	s1 =	sld [smem:$0x3F97];
	s0 =	simm.s32 @p0 $0x1  }
0x13: {  	[smem:$0x3FB2] =	sst s0;
	s0 =	simm.s32 @!p1 $0x0  }
0x14: {  	s2 =	sld [smem:$0x3F96];
	s0 =	simm.s32 @p1 $0x1  }
0x15: {  	[smem:$0x3FB3] =	sst s0;
	s0 =	simm.s32 @!p2 $0x0  }
0x16: {  	s3 =	sld [smem:$0x3FDB];
	s0 =	simm.s32 @p2 $0x1  }
0x17: {  	s4 =	simm.s32 $0x1BF5;
	[smem:$0x3FB5] =	sst s0  }
0x18: {  	s0 =	sld [smem:$0x3F98];
	_ =	swait.ge [sflag:s4], $0x0  }
0x19: {  	s7 =	sld [smem:$0x3F99]  }
0x1a: {  	s8 =	sadd.s32 $0xFFFFE003, lr  }
0x1b: {  	s9 =	sadd.s32 $0xFFFFFEF7, lr;
	s5 =	simm.s32 $0xFFFFFFFF;
	p2 =	slt.u32 s8, $0xFFFFF086  }
0x1c: {  	p1 =	slt.u32 s9, $0xF7A;
	s5 =	simm.s32 @!p2 $0x0  }
0x1d: {  	s5 =	simm.s32 @p1 $0x1;
	p0 =	seq.s32 s7, s2  }
0x1e: {  	s7 =	smul.u32 @!p0 $0xF7A, s2;
	p2 =	seq.s32 @!p0 s5, $0x0  }
0x1f: {  	s9 =	smul.u32 $0xF7A, s1;
	s8 =	simm.s32 @!p0 $0x1BF5;
	p2 =	por !p2, p0  }
0x20: {  	[sflag:s8] =	ssyncset.s32 @!p0 $0xFFFFF086;
	s6 =	sadd.s32 @!p0 s3, s7;
	s7 =	simm.s32 @!p0 $0x108  }
0x21: {  	s3 =	sadd.s32 s3, s9;
	s6 =	sadd.s32 @!p0 $0x88, s6;
	s7 =	simm.s32 @p2 $0x1082  }
0x22: {  	[simem:s7], [sflag:s8] =	dma.local @!p0 [hbm:s6], $0xF7A  }
0x23: {  	s9 =	sor.u32 $0xD0000000, s2;
	s6 =	simm.s32 $0x108;
	_ =	swait.ge @!p0 [sflag:s8], $0x0  }
0x24: {  	s3 =	sadd.s32 $0x88, s3;
	s6 =	simm.s32 @!p1 $0x1082;
	[sflag:s4] =	ssyncset.s32 $0xFFFFF086  }
0x25: {  	[simem:s6], [sflag:s4] =	dma.local [hbm:s3], $0xF7A  }
0x26: {  	[smem:$0x3F99] =	sst s1;
	(tag) =	ssettag s2;
	_ =	strace s9  }
0x27: {  	s1 =	sld [smem:$0x3FA9]  }
0x28: {  	s2 =	sld [smem:$0x3FAA]  }
0x29: {  	s4 =	sld [smem:$0x3FAC]  }
0x2a: {  	p0 =	seq.s32 s5, $0x0;
	s5 =	sld [smem:$0x3FAD]  }
0x2b: {  	s6 =	sld [smem:$0x3FAE]  }
0x2c: {  	s7 =	sld [smem:$0x3FAF]  }
0x2d: {  	s3 =	simm.s32 $0x108;
	s8 =	sld [smem:$0x3FB0]  }
0x2e: {  	s3 =	simm.s32 @!p0 $0x1082;
	s9 =	sld [smem:$0x3FB1]  }
0x2f: {  	lr =	sadd.s32 s0, s3;
	s0 =	sld [smem:$0x3FA8]  }
0x30: {  	s3 =	sld [smem:$0x3FAB]  }
0x31: {  	[smem:$0x3FB4] =	sst s10  }
0x32: {  	s10 =	sld [smem:$0x3FB2];
	_ =	sdelay $0x3  }
0x33: {  	p0 =	seq.s32 s10, $0x1;
	s10 =	sld [smem:$0x3FB4];
	_ =	sdelay $0x3  }
0x34: {  	[smem:$0x3FB4] =	sst s10  }
0x35: {  	s10 =	sld [smem:$0x3FB3];
	_ =	sdelay $0x3  }
0x36: {  	p1 =	seq.s32 s10, $0x1;
	s10 =	sld [smem:$0x3FB4];
	_ =	sdelay $0x3  }
0x37: {  	[smem:$0x3FB4] =	sst s10  }
0x38: {  	s10 =	sld [smem:$0x3FB5]  }
0x39: {  	_ = 	snop;
	(pc) =	sbr.ind lr, $3  }
0x3a: {  	_ = 	snop  }
0x3b: {  	_ = 	snop  }
0x3c: {  	p2 =	seq.s32 s10, $0x1;
	s10 =	sld [smem:$0x3FB4]  }
0x3d: {  	_ =	shalt  }
0x3e: {  	_ =	shalt  }
0x3f: {  	_ =	shalt  }
0x40: {  	_ =	shalt  }
0x41: {  	_ =	shalt  }
0x42: {  	_ =	shalt  }
0x43: {  	_ =	shalt  }
0x44: {  	_ =	shalt  }
0x45: {  	_ =	shalt  }
0x46: {  	_ =	shalt  }
0x47: {  	_ =	shalt  }
0x48: {  	_ =	shalt  }
0x49: {  	_ =	shalt  }
0x4a: {  	_ =	shalt  }
0x4b: {  	_ =	shalt  }
0x4c: {  	_ =	shalt  }
0x4d: {  	_ =	shalt  }
0x4e: {  	_ =	shalt  }
0x4f: {  	_ =	shalt  }
0x50: {  	_ =	shalt  }
0x51: {  	_ =	shalt  }
0x52: {  	_ =	shalt  }
0x53: {  	_ =	shalt  }
0x54: {  	_ =	shalt  }
0x55: {  	_ =	shalt  }
0x56: {  	_ =	shalt  }
0x57: {  	_ =	shalt  }
0x58: {  	_ =	shalt  }
0x59: {  	_ =	shalt  }
0x5a: {  	_ =	shalt  }
0x5b: {  	_ =	shalt  }
0x5c: {  	_ =	shalt  }
0x5d: {  	_ =	shalt  }
0x5e: {  	_ =	shalt  }
0x5f: {  	_ =	shalt  }
0x60: {  	_ =	shalt  }
0x61: {  	_ =	shalt  }
0x62: {  	_ =	shalt  }
0x63: {  	_ =	shalt  }
0x64: {  	_ =	shalt  }
0x65: {  	_ =	shalt  }
0x66: {  	_ =	shalt  }
0x67: {  	_ =	shalt  }
0x68: {  	_ =	shalt  }
0x69: {  	_ =	shalt  }
0x6a: {  	_ =	shalt  }
0x6b: {  	_ =	shalt  }
0x6c: {  	_ =	shalt  }
0x6d: {  	_ =	shalt  }
0x6e: {  	_ =	shalt  }
0x6f: {  	_ =	shalt  }
0x70: {  	_ =	shalt  }
0x71: {  	_ =	shalt  }
0x72: {  	_ =	shalt  }
0x73: {  	_ =	shalt  }
0x74: {  	_ =	shalt  }
0x75: {  	_ =	shalt  }
0x76: {  	_ =	shalt  }
0x77: {  	_ =	shalt  }
0x78: {  	_ =	shalt  }
0x79: {  	_ =	shalt  }
0x7a: {  	_ =	shalt  }
0x7b: {  	_ =	shalt  }
0x7c: {  	_ =	shalt  }
0x7d: {  	_ =	shalt  }
0x7e: {  	_ =	shalt  }
0x7f: {  	_ =	shalt  }
0x80: {  	_ =	shalt  }
0x81: {  	_ =	shalt  }
0x82: {  	_ =	shalt  }
0x83: {  	_ =	shalt  }
0x84: {  	_ =	shalt  }
0x85: {  	_ =	shalt  }
0x86: {  	_ =	shalt  }
0x87: {  	_ =	shalt  }
.Lfunc_end0:
.L_simem_size_0:
called_computation_lowered:
.L_overlay_start_0:
0x88: {  	s2 =	sld [smem:$0x3FD9]  }
0x89: {  	s3 =	sld [smem:$0x3FFE];
	_ =	sdelay $0x1  }
0x8a: {  	s1 =	srdreg.scid  }
0x8b: {  	s0 =	sand.u32 $0x1, s1  }
0x8c: {  	s14 =	sshll.u32 s0, $0xA;
	s2 =	sadd.s32 s3, s2  }
0x8d: {  	s2 =	sadd.s32 s2, s14  }
0x8e: {  	[smem:$0x3FC0] =	sst s2  }
0x8f: {  	_ = 	snop  }
0x90: {  	s2 =	sld [smem:$0x3FD0];
	_ =	sdelay $0x1  }
0x91: {  	s15 =	sld [smem:$0x3FC9]  }
0x92: {  	s5 =	simm.s32 $0xA;
	s6 =	simm.s32 $0x10;
	s4 =	sld [smem:$0x3FC6]  }
0x93: {  	[smem:s6], [sflag:s5] =	dma.local [hbm:s2], $0x1  }
0x94: {  	_ =	swait.eq [sflag:s5], $0x1  }
0x95: {  	[sflag:s5] =	ssyncset.done $0x0  }
0x96: {  	[sflag:s5] =	ssyncadd.s32 $0xFFFFFFFF  }
0x97: {  	s16 =	sld [smem:$0x10];
	(tm) =	ssettm $0x1  }
0x98: {  	s17 =	sld [smem:$0x3FFB];
	_ =	sdelay $0x3  }
0x99: {  	_ =	strace s17  }
0x9a: {  	s5 =	sld [smem:$0x3FFC];
	_ =	sdelay $0x3  }
0x9b: {  	_ =	strace s5  }
0x9c: {  	s5 =	sld [smem:$0x3FFD];
	_ =	sdelay $0x3  }
0x9d: {  	_ =	strace s5  }
0x9e: {  	_ =	strace $0x8FFFFFFF  }
0x9f: {  	s18 =	sld [smem:$0x3FDB];
	_ =	sdelay $0x1  }
0xa0: {  	s19 =	simm.s32 $_scs_section_size  }
0xa1: {  	s7 =	simm.s32 $_size__tile_overlayer_lowered;
	s8 =	simm.s32 $_tile_overlayer_lowered  }
0xa2: {  	s22 =	simm.s32 $0x1BFF;
	s21 =	sshll.u32 s8, $0x1;
	s5 =	sadd.s32 s19, s18  }
0xa3: {  	s9 =	simm.s32 $0x0;
	s20 =	sshll.u32 s7, $0x1;
	s7 =	sadd.s32 s21, s5  }
0xa4: {  	[timem:s9], [sflag:s22] =	dma.local [hbm:s7], s20  }
0xa5: {  	_ =	swait.ge [sflag:s22], s20  }
0xa6: {  	s6 =	ssub.s32 $0x0, s20;
	[sflag:s22] =	ssyncset.done $0x0  }
0xa7: {  	[sflag:s22] =	ssyncadd.s32 s6;
	_ =	sdelay $0x1  }
0xa8: {  	s23 =	simm.s32 $0x1B8B  }
0xa9: {  	_ =	swait.ge [sflag:s23], $0x1  }
0xaa: {  	[sflag:s23] =	ssyncset.done $0x0  }
0xab: {  	s25 =	simm.s32 $0x1B8E;
	s24 =	sld [smem:$0x3FFE];
	[sflag:s23] =	ssyncadd.s32 $0xFFFFFFFF  }
0xac: {  	s26 =	simm.s32 $execute0_lowered;
	[smem:$0x3FD2] =	sst s25  }
0xad: {  	s7 =	sshll.u32 s26, $0x1;
	_ =	strace $0x80000046;
	[dreg:$0x1] =	wrdreg $0xFFFFFFFF  }
0xae: {  	s28 =	simm.s32 $_size_execute0_lowered;
	s5 =	sadd.s32 s5, s7;
	[dreg:$0x0] =	wrdreg $0x0  }
0xaf: {  	s7 =	sshll.u32 s28, $0x1;
	[dreg:$0x2] =	wrdreg s5  }
0xb0: {  	[dreg:$0x3] =	wrdreg s7  }
0xb1: {  	[dreg:$0x4] =	wrdreg $0xC0  }
0xb2: {  	_ =	task [dreg:s9], $0x5FFFF  }
0xb3: {  	[dreg:$0x1] =	wrdreg $0xFFFFFFFF  }
0xb4: {  	[dreg:$0x0] =	wrdreg $0x60  }
0xb5: {  	[dreg:$0x2] =	wrdreg s4  }
0xb6: {  	[dreg:$0x3] =	wrdreg s15  }
0xb7: {  	[dreg:$0x4] =	wrdreg s24  }
0xb8: {  	[dreg:$0x5] =	wrdreg s16  }
0xb9: {  	[dreg:$0x6] =	wrdreg $0x9  }
0xba: {  	_ =	task.clear_ibuf [dreg:s9], $0x7FFFF;
	_ =	strace $0x90000046  }
0xbb: {  	s29 =	simm.s32 $0x9;
	_ =	strace $0x8000004B  }
0xbc: {  	_ =	swait.ge [sflag:s29], $0x1  }
0xbd: {  	[sflag:s29] =	ssyncadd.s32 $0xFFFFFFFF  }
0xbe: {  	_ =	strace $0x9000004B  }
0xbf: {  	_ =	sfence  }
0xc0: {  	s30 =	sld [smem:$0x0];
	_ =	sdelay $0x2  }
0xc1: {  	s31 =	sshll.u32 s1, $0xD;
	s1 =	sshrl.u32 s1, $0x2  }
0xc2: {  	s3 =	sand.u32 $0x4000, s31;
	s1 =	sadd.s32 s1, s30  }
0xc3: {  	s0 =	sor.u32 s3, s0;
	s1 =	sshll.u32 s1, $0x11  }
0xc4: {  	s0 =	sor.u32 s1, s0  }
0xc5: {  	s0 =	sadd.s32 $0x8F2B, s0  }
0xc6: {  	[sflag:s0] =	ssyncadd.remote.s32 $0x1  }
0xc7: {  	_ =	sfence.sel $0xFFFF  }
0xc8: {  	[dreg:$0x0] =	wrdreg $0xFFFFFFFF;
	(pc) =	sbr.abs _section_cstart, $3  }
0xc9: {  	[dreg:$0x1] =	wrdreg $0xFFFFFFFF  }
0xca: {  	_ =	task.clear_ibuf [dreg:s9], $0x2FFFF;
	_ =	strace $0x9FFFFFFF  }
0xcb: {  	(tm) =	ssettm $0x7FFFFFFF  }
tec
execute0_lowered:
.L_overlay_start_1:
0x0: {  	(tag) =	ssettag $0x1  }
0x1: {  	s7 =	rddreg [dreg:$0x0]  }
0x2: {  	s0 =	rddreg [dreg:$0x1]  }
0x3: {  	s1 =	srdreg.scid;
	s5 =	rddreg [dreg:$0x2]  }
0x4: {  	s9 =	rddreg [dreg:$0x3];
	s2 =	stileid.u32  }
0x5: {  	s3 =	simm.s32 $0x0;
	s4 =	sand.u32 $0x1, s1;
	s1 =	rddreg [dreg:$0x4]  }
0x6: {  	s14 =	simm.s32 $0x4080;
	[smem:$0x7FF] =	sst s3;
	s6 =	sshll.u32 s4, $0x4  }
0x7: {  	_ =	strace $0x80000047;
	s31 =	ssub.s32 $0x2, s4;
	s11 =	sor.u32 s2, s6  }
0x8: {  	s4 =	sadd.s32 $0x1200, s5;
	s8 =	sshrl.u32 s31, $0x1;
	s12 =	smul.u32 $0xC80, s11  }
0x9: {  	s5 =	sadd.s32 $0x1600, s5;
	s13 =	ssub.s32 s31, s8;
	p0 =	sne.s32 s11, $0x1F  }
0xa: {  	s11 =	simm.s32 $0x4;
	s10 =	sshrl.u32 s12, $0x3;
	v0 =	vmov s12;
	s12 =	simm.s32 $0x1  }
0xb: {  	s6 =	sadd.s32 s7, s10;
	s7 =	sadd.s32 $0x3070, s7;
	s8 =	sadd.s32 s9, s10  }
0xc: {  	s9 =	sadd.s32 $0x3070, s9;
	s10 =	smax.u32 s13, $0x1;
	s13 =	simm.s32 $0x2  }
.LBB2_1:
0xd: {  	s15 =	simm.s32 @p0 $0x0;
	s16 =	simm.s32 @p0 $0x4080  }
0xe: {  	[tilespmem:s16], [sflag:$0x3] =	stream.linear.gather @p0 [hbm4b:s6+s15], $0xC80, $0x38;
	[tilespmem:$0x4D00] =	vst v63  }
0xf: {  	s16 =	simm.s32 @p0 $0x4000  }
0x10: {  	[tilespmem:s16], [sflag:$0x4] =	stream.linear.gather @p0 [hbm4b:s5+s15], $0x10, $0x38;
	[tilespmem:$0x4D00] =	vst v63  }
0x11: {  	_ = 	snop  }
0x12: {  	[tilespmem:s15], [sflag:$0x1] =	stream.linear.gather @p0 [hbm4b:s0+s15], $0x2000, $0x38;
	[tilespmem:$0x4D00] =	vst v63  }
0x13: {  	s16 =	simm.s32 @p0 $0x2000  }
0x14: {  	[tilespmem:s16], [sflag:$0x2] =	stream.linear.gather @p0 [hbm4b:s4+s15], $0x2000, $0x38;
	[tilespmem:$0x4D00] =	vst v63  }
0x15: {  	s15 =	simm.s32 @p0 $0x3  }
0x16: {  	_ =	swait.ge @p0 [sflag:s15], $0xC80  }
0x17: {  	[sflag:s15] =	ssyncset.done @p0 $0x0  }
0x18: {  	s16 =	simm.s32 @!p0 $0x4080;
	[sflag:s15] =	ssyncadd.s32 @p0 $0xFFFFF380;
	s15 =	simm.s32 @!p0 $0x0  }
0x19: {  	[tilespmem:s16], [sflag:$0x3] =	stream.linear.gather @!p0 [hbm4b:s7+s15], $0x320, $0x38;
	[tilespmem:$0x4D00] =	vst v63  }
0x1a: {  	s16 =	simm.s32 @!p0 $0x4000  }
0x1b: {  	[tilespmem:s16], [sflag:$0x4] =	stream.linear.gather @!p0 [hbm4b:s5+s15], $0x10, $0x38;
	[tilespmem:$0x4D00] =	vst v63  }
0x1c: {  	_ = 	snop  }
0x1d: {  	[tilespmem:s15], [sflag:$0x1] =	stream.linear.gather @!p0 [hbm4b:s0+s15], $0x2000, $0x38;
	[tilespmem:$0x4D00] =	vst v63  }
0x1e: {  	s16 =	simm.s32 @!p0 $0x2000  }
0x1f: {  	[tilespmem:s16], [sflag:$0x2] =	stream.linear.gather @!p0 [hbm4b:s4+s15], $0x2000, $0x38;
	[tilespmem:$0x4D00] =	vst v63  }
0x20: {  	s15 =	simm.s32 @!p0 $0x3  }
0x21: {  	_ =	swait.ge @!p0 [sflag:s15], $0x320  }
0x22: {  	[sflag:s15] =	ssyncset.done @!p0 $0x0  }
0x23: {  	[sflag:s15] =	ssyncadd.s32 @!p0 $0xFFFFFCE0  }
0x24: {  	_ =	swait.ge [sflag:s11], $0x10  }
0x25: {  	[sflag:s11] =	ssyncset.done $0x0  }
0x26: {  	[sflag:s11] =	ssyncadd.s32 $0xFFFFFFF0  }
0x27: {  	s15 =	simm.s32 $0x0;
	v1 =	vld [tilespmem:$0x4000];
	_ =	strace $0x80000048  }
0x28: {  	v2 =	vld [tilespmem:s15+$0x4080]  }
0x29: {  	v4 =	vld [tilespmem:s15+$0x4090]  }
0x2a: {  	s16 =	simm.s32 $0x100;
	v3 =	vld [tilespmem:s15+$0x40A0]  }
.LBB2_2:
0x2b: {  	p1 =	sne.s32 s16, $0x3100;
	v5 =	vld [tilespmem:s15+$0x40B0];
	_ =	sdelay $0x1  }
0x2c: {  	v2 =	vmul.f32 v2, v1  }
.Ltmp0:
0x2d: {  	v4 =	vmul.f32 v4, v1;
	(pc) =	sbr.rel @p1 .LBB2_2-.Ltmp0, $4  }
0x2e: {  	s17 =	sshra.s32 s16, $0x2;
	[tilespmem:s15+$0x4080] =	vst v2;
	v3 =	vmul.f32 v3, v1  }
0x2f: {  	v2 =	vld [tilespmem:s17+$0x4080];
	[tilespmem:s15+$0x4090] =	vst v4;
	v5 =	vmul.f32 v5, v1  }
0x30: {  	v4 =	vld [tilespmem:s17+$0x4090];
	[tilespmem:s15+$0x40A0] =	vst v3  }
0x31: {  	s16 =	sadd.s32 $0x100, s16;
	v3 =	vld [tilespmem:s17+$0x40A0];
	[tilespmem:s15+$0x40B0] =	vst v5;
	s15 =	smov.u32 s17  }
0x32: {  	v5 =	vld [tilespmem:s15+$0x40B0];
	_ =	sdelay $0x1  }
0x33: {  	v2 =	vmul.f32 v2, v1  }
0x34: {  	v4 =	vmul.f32 v4, v1  }
0x35: {  	[tilespmem:s15+$0x4080] =	vst v2;
	v2 =	vmul.f32 v3, v1  }
0x36: {  	[tilespmem:s15+$0x4090] =	vst v4;
	v1 =	vmul.f32 v5, v1  }
0x37: {  	[tilespmem:s15+$0x40A0] =	vst v2  }
0x38: {  	[tilespmem:s15+$0x40B0] =	vst v1  }
0x39: {  	_ =	strace $0x90000048  }
0x3a: {  	_ =	strace $0x80000049  }
0x3b: {  	_ =	swait.ge [sflag:s12], $0x2000  }
0x3c: {  	[sflag:s12] =	ssyncset.done $0x0  }
0x3d: {  	[sflag:s12] =	ssyncadd.s32 $0xFFFFE000  }
0x3e: {  	_ =	swait.ge [sflag:s13], $0x2000  }
0x3f: {  	[sflag:s13] =	ssyncset.done $0x0  }
0x40: {  	[sflag:s13] =	ssyncadd.s32 $0xFFFFE000  }
0x41: {  	_ =	strace $0x90000049  }
0x42: {  	s15 =	simm.s32 $0x0;
	_ =	strace $0x8000004A  }
.LBB2_4:
0x43: {  	s16 =	sshra.s32 s15, $0x2  }
0x44: {  	v1 =	vld [tilespmem:s16+$0x0];
	_ =	sdelay $0x4  }
0x45: {  	v1 =	vsub.s32 v1, v0  }
0x46: {  	vm0 =	vlt.u32 v1, $0xC80  }
0x47: {  	v2 =	vld [tilespmem:s16+$0x2000];
	v1 =	vnsel vm0, $0x0, v1;
	_ =	sdelay $0x4  }
0x48: {  	[tilespmem:v1+s14+$0x0] =	vst.idx.add.f32.msk vm0, v2  }
0x49: {  	v1 =	vld [tilespmem:s16+$0x10];
	_ =	sdelay $0x4  }
0x4a: {  	v1 =	vsub.s32 v1, v0  }
0x4b: {  	vm9 =	vlt.u32 v1, $0xC80  }
0x4c: {  	v2 =	vld [tilespmem:s16+$0x2010];
	v1 =	vnsel vm9, $0x0, v1;
	_ =	sdelay $0x4  }
0x4d: {  	[tilespmem:v1+s14+$0x0] =	vst.idx.add.f32.msk vm9, v2  }
0x4e: {  	v1 =	vld [tilespmem:s16+$0x20];
	_ =	sdelay $0x4  }
0x4f: {  	v1 =	vsub.s32 v1, v0  }
0x50: {  	vm10 =	vlt.u32 v1, $0xC80  }
0x51: {  	v2 =	vld [tilespmem:s16+$0x2020];
	v1 =	vnsel vm10, $0x0, v1;
	_ =	sdelay $0x4  }
0x52: {  	[tilespmem:v1+s14+$0x0] =	vst.idx.add.f32.msk vm10, v2  }
0x53: {  	v1 =	vld [tilespmem:s16+$0x30];
	_ =	sdelay $0x4  }
0x54: {  	v1 =	vsub.s32 v1, v0  }
0x55: {  	vm11 =	vlt.u32 v1, $0xC80  }
0x56: {  	v2 =	vld [tilespmem:s16+$0x2030];
	v1 =	vnsel vm11, $0x0, v1;
	_ =	sdelay $0x4  }
0x57: {  	[tilespmem:v1+s14+$0x0] =	vst.idx.add.f32.msk vm11, v2  }
0x58: {  	v1 =	vld [tilespmem:s16+$0x40];
	_ =	sdelay $0x4  }
0x59: {  	v1 =	vsub.s32 v1, v0  }
0x5a: {  	vm12 =	vlt.u32 v1, $0xC80  }
0x5b: {  	v2 =	vld [tilespmem:s16+$0x2040];
	v1 =	vnsel vm12, $0x0, v1;
	_ =	sdelay $0x4  }
0x5c: {  	[tilespmem:v1+s14+$0x0] =	vst.idx.add.f32.msk vm12, v2  }
0x5d: {  	v1 =	vld [tilespmem:s16+$0x50];
	_ =	sdelay $0x4  }
0x5e: {  	v1 =	vsub.s32 v1, v0  }
0x5f: {  	vm13 =	vlt.u32 v1, $0xC80  }
0x60: {  	v2 =	vld [tilespmem:s16+$0x2050];
	v1 =	vnsel vm13, $0x0, v1;
	_ =	sdelay $0x4  }
0x61: {  	[tilespmem:v1+s14+$0x0] =	vst.idx.add.f32.msk vm13, v2  }
0x62: {  	v1 =	vld [tilespmem:s16+$0x60];
	_ =	sdelay $0x4  }
0x63: {  	v1 =	vsub.s32 v1, v0  }
0x64: {  	vm14 =	vlt.u32 v1, $0xC80  }
0x65: {  	v2 =	vld [tilespmem:s16+$0x2060];
	v1 =	vnsel vm14, $0x0, v1;
	_ =	sdelay $0x4  }
0x66: {  	[tilespmem:v1+s14+$0x0] =	vst.idx.add.f32.msk vm14, v2  }
0x67: {  	v1 =	vld [tilespmem:s16+$0x70];
	_ =	sdelay $0x4  }
0x68: {  	v1 =	vsub.s32 v1, v0  }
0x69: {  	vm15 =	vlt.u32 v1, $0xC80  }
0x6a: {  	p1 =	sne.s32 s15, $0x7E00;
	v2 =	vld [tilespmem:s16+$0x2070];
	v1 =	vnsel vm15, $0x0, v1  }
.Ltmp1:
0x6b: {  	_ = 	snop;
	(pc) =	sbr.rel @p1 .LBB2_4-.Ltmp1, $2  }
0x6c: {  	_ =	sdelay $0x2  }
0x6d: {  	s15 =	sadd.s32 $0x200, s15;
	[tilespmem:v1+s14+$0x0] =	vst.idx.add.f32.msk vm15, v2  }
0x6e: {  	_ =	strace $0x9000004A;
	s15 =	simm.s32 @p0 $0x0;
	s16 =	simm.s32 @p0 $0x4080  }
0x6f: {  	[hbm4b:s8+s15] =	stream.linear.scatter @p0 [tilespmem:s16], [sflag:$0x5], $0xC80, $0x38;
	[tilespmem:$0x4D00] =	vst v63  }
0x70: {  	s15 =	simm.s32 @p0 $0x5  }
0x71: {  	_ =	swait.ge @p0 [sflag:s15], $0xC80  }
0x72: {  	s3 =	sadd.s32 $0x1, s3;
	s16 =	simm.s32 @!p0 $0x4080;
	[sflag:s15] =	ssyncset.done @p0 $0x0  }
0x73: {  	p1 =	sne.s32 s3, s10;
	[sflag:s15] =	ssyncadd.s32 @p0 $0xFFFFF380;
	s15 =	simm.s32 @!p0 $0x0  }
0x74: {  	[hbm4b:s9+s15] =	stream.linear.scatter @!p0 [tilespmem:s16], [sflag:$0x5], $0x320, $0x38;
	[tilespmem:$0x4D00] =	vst v63  }
.Ltmp2:
0x75: {  	_ = 	snop;
	(pc) =	sbr.rel @p1 .LBB2_1-.Ltmp2, $4  }
0x76: {  	s15 =	simm.s32 @!p0 $0x5  }
0x77: {  	_ =	swait.ge @!p0 [sflag:s15], $0x320  }
0x78: {  	[sflag:s15] =	ssyncset.done @!p0 $0x0  }
0x79: {  	[sflag:s15] =	ssyncadd.s32 @!p0 $0xFFFFFCE0  }
0x7a: {  	_ =	sfence.sel $0x180000  }
0x7b: {  	[bflag:$0x0] =	sbarrier.arrive $0xFFFF  }
0x7c: {  	p0 =	sne.s32 s2, $0x0;
	_ =	strace $0x90000047  }
0x7d: {  	s0 =	sadd.s32 @!p0 $0x100000, s1;
	[bflag:$0x2] =	sbarrier.arrive $0xFFFF  }
0x7e: {  	[sflag:s0] =	ssyncadd.tile.s32 @!p0 $0x1;
	_ =	shalt  }
.Lfunc_end2:
_tile_overlayer_lowered:
.L_overlay_start_2:
0x7f: {  	(tag) =	ssettag $0x2  }
0x80: {  	s0 =	rddreg [dreg:$0x0];
	s2 =	stileid.u32  }
0x81: {  	s1 =	rddreg [dreg:$0x1];
	p0 =	sne.s32 s2, $0x0  }
0x82: {  	s3 =	rddreg [dreg:$0x2];
	[bflag:$0x3] =	sbarrier.arrive $0xFFFF;
	s2 =	simm.s32 @!p0 $0x1C05  }
0x83: {  	[timem:s3], [sflag:s2] =	dma.local @!p0 [hbm:s0], s1  }
0x84: {  	s0 =	simm.s32 @!p0 $0x5  }
0x85: {  	_ =	swait.ge @!p0 [sflag:s0], s1  }
0x86: {  	s1 =	ssub.s32 @!p0 $0x0, s1;
	[sflag:s0] =	ssyncset.done @!p0 $0x0  }
0x87: {  	[sflag:s0] =	ssyncadd.s32 @!p0 s1  }
0x88: {  	[bflag:$0x3] =	sbarrier.arrive $0xFFFF  }
0x89: {  	_ =	shalt  }

</sc_bundles>
